<compile_context>
chip_gen: v7x
topology: tpu7x:2x2x1
jax: 0.10.2.dev20260603
libtpu: 0.0.44.dev20260713+nightly
codegen_flags: <defaults>
</compile_context>

<pallas_src>
import functools
import jax
import jax.numpy as jnp
from jax import lax
from jax.experimental import pallas as pl
from jax.experimental.pallas import tpu as pltpu
from jax.experimental.pallas import tpu_sc as plsc

B, F, H, Z, NZ = 16384, 768, 128, 64, 8192
Q, NQ = 32, 1024
TB = 256
TZ = 1024
TW = 128


def _softplus(x):
    return jnp.maximum(x, 0.0) + jnp.log(1.0 + jnp.exp(-jnp.abs(x)))


def _normalize_rows(W, ci_col):
    absrowsum = jnp.sum(jnp.abs(W), axis=1, keepdims=True)
    scale = jnp.minimum(1.0, _softplus(ci_col) / absrowsum)
    return W * scale


def _row_argmin(dist, n):
    m = jnp.min(dist, axis=1, keepdims=True)
    j = lax.broadcasted_iota(jnp.int32, dist.shape, 1)
    return jnp.min(jnp.where(dist == m, j, n), axis=1)


def _enc_argmin_kernel(x_ref, w1_ref, b1_ref, w2_ref, b2_ref,
                       latw_ref, latb_ref, latci_ref, cb_ref,
                       idx_ref, cbn_ref):
    i = pl.program_id(0)

    @pl.when(i == 0)
    def _():
        cb0 = cb_ref[...]
        cbn_ref[...] = jnp.sum(cb0 * cb0, axis=1)[None, :]

    x = x_ref[...]
    h = jax.nn.gelu(lax.dot_general(x, w1_ref[...], (((1,), (1,)), ((), ())))
                    + b1_ref[...])
    h = jax.nn.gelu(lax.dot_general(h, w2_ref[...], (((1,), (1,)), ((), ())))
                    + b2_ref[...])
    latn = _normalize_rows(latw_ref[...], latci_ref[...])
    z_e = jax.nn.sigmoid(lax.dot_general(h, latn, (((1,), (1,)), ((), ())))
                         + latb_ref[...])
    dots = lax.dot_general(z_e, cb_ref[...], (((1,), (1,)), ((), ())))
    z_norm = jnp.sum(z_e * z_e, axis=1, keepdims=True)
    dist = (z_norm + cbn_ref[...]) - 2.0 * dots
    idx_ref[...] = _row_argmin(dist, NZ)


def _qtable_kernel(zcb_ref, qw_ref, qb_ref, qci_ref, qcb_ref, tab_ref):
    qn = _normalize_rows(qw_ref[...], qci_ref[...])
    zcb = zcb_ref[...]
    q_e = jax.nn.sigmoid(lax.dot_general(zcb, qn, (((1,), (1,)), ((), ())))
                         + qb_ref[...])
    qcb = qcb_ref[...]
    dots = lax.dot_general(q_e, qcb, (((1,), (1,)), ((), ())))
    rn = jnp.sum(q_e * q_e, axis=1, keepdims=True)
    cn = jnp.sum(qcb * qcb, axis=1)[None, :]
    dist = (rn + cn) - 2.0 * dots
    qt = _row_argmin(dist, NQ)
    onehot = (lax.broadcasted_iota(jnp.int32, (TZ, NQ), 1)
              == qt[:, None]).astype(jnp.float32)
    qq = lax.dot_general(onehot, qcb, (((1,), (0,)), ((), ())))
    qtf = lax.bitcast_convert_type(qt, jnp.float32)[:, None]
    pad = jnp.zeros((TZ, TW - Z - Q - 1), jnp.float32)
    tab_ref[...] = jnp.concatenate([zcb, qq, qtf, pad], axis=1)


def _tc_encode_argmin(x, w1, b1, w2, b2, latw, latb, latci, zcb):
    grid = B // TB
    return pl.pallas_call(
        _enc_argmin_kernel,
        grid=(grid,),
        in_specs=[
            pl.BlockSpec((TB, F), lambda i: (i, 0)),
            pl.BlockSpec((Z, F), lambda i: (0, 0)),
            pl.BlockSpec((1, Z), lambda i: (0, 0)),
            pl.BlockSpec((H, Z), lambda i: (0, 0)),
            pl.BlockSpec((1, H), lambda i: (0, 0)),
            pl.BlockSpec((Z, H), lambda i: (0, 0)),
            pl.BlockSpec((1, Z), lambda i: (0, 0)),
            pl.BlockSpec((Z, 1), lambda i: (0, 0)),
            pl.BlockSpec((NZ, Z), lambda i: (0, 0)),
        ],
        out_specs=pl.BlockSpec((TB,), lambda i: (i,)),
        out_shape=jax.ShapeDtypeStruct((B,), jnp.int32),
        scratch_shapes=[pltpu.VMEM((1, NZ), jnp.float32)],
    )(x, w1, b1, w2, b2, latw, latb, latci, zcb)


def _tc_qtable(zcb, qw, qb, qci, qcb):
    grid = NZ // TZ
    return pl.pallas_call(
        _qtable_kernel,
        grid=(grid,),
        in_specs=[
            pl.BlockSpec((TZ, Z), lambda i: (i, 0)),
            pl.BlockSpec((Q, Z), lambda i: (0, 0)),
            pl.BlockSpec((1, Q), lambda i: (0, 0)),
            pl.BlockSpec((Q, 1), lambda i: (0, 0)),
            pl.BlockSpec((NQ, Q), lambda i: (0, 0)),
        ],
        out_specs=pl.BlockSpec((TZ, TW), lambda i: (i, 0)),
        out_shape=jax.ShapeDtypeStruct((NZ, TW), jnp.float32),
    )(zcb, qw, qb, qci, qcb)


def _sc_gather(tab, z_idx):
    info = plsc.get_sparse_core_info()
    nw = info.num_cores * info.num_subcores
    b_per_w = B // nw
    nchunks = b_per_w // 128
    mesh = plsc.VectorSubcoreMesh(core_axis_name="c", subcore_axis_name="s")

    @functools.partial(
        pl.kernel,
        mesh=mesh,
        out_type=jax.ShapeDtypeStruct((B, TW), jnp.float32),
        scratch_types=[
            pltpu.VMEM((b_per_w,), jnp.int32),
            pltpu.VMEM((b_per_w, TW), jnp.float32),
            pltpu.SemaphoreType.DMA,
        ],
    )
    def k(tab_hbm, idx_hbm, out_hbm, idx_v, rows_v, sem):
        wid = lax.axis_index("s") * info.num_cores + lax.axis_index("c")
        base = wid * b_per_w
        pltpu.sync_copy(idx_hbm.at[pl.ds(base, b_per_w)], idx_v)
        pass
        pltpu.sync_copy(rows_v, out_hbm.at[pl.ds(base, b_per_w)])

    return k(tab, z_idx)


def kernel(x, enc_W1, enc_b1, enc_W2, enc_b2, lat_W, lat_b, lat_ci,
           z_codebook, qenc_W, qenc_b, qenc_ci, q_codebook):
    b1 = enc_b1.reshape(1, Z)
    b2 = enc_b2.reshape(1, H)
    latb = lat_b.reshape(1, Z)
    latci = lat_ci.reshape(Z, 1)
    qb = qenc_b.reshape(1, Q)
    qci = qenc_ci.reshape(Q, 1)

    z_idx = _tc_encode_argmin(x, enc_W1, b1, enc_W2, b2,
                              lat_W, latb, latci, z_codebook)
    tab = _tc_qtable(z_codebook, qenc_W, qb, qci, q_codebook)

    rows = _sc_gather(tab, z_idx)
    z_q = rows[:, :Z]
    q_q = rows[:, Z:Z + Q]
    q_idx = lax.bitcast_convert_type(rows[:, Z + Q], jnp.int32)
    return (z_q, z_idx, q_q, q_idx)

# --- scband reference (transcript-rebuilt; emitter-appended) ---
"""Pipeline reference for scband-hierarchical-lfqhvqvae-31052613550674 (READ-ONLY COPY).

The authoritative reference and input builder live on the scoring server;
editing this copy changes nothing except your own understanding.
"""

import jax, jax.numpy as jnp
import numpy as np


def _normalization(W, ci):
    absrowsum = jnp.sum(jnp.abs(W), axis=1, keepdims=True)
    scale = jnp.minimum(1.0, jax.nn.softplus(ci)[:, None] / absrowsum)
    return W * scale


def _quantize(z_e, codebook):
    # ||a-b||^2 = ||a||^2 + ||b||^2 - 2 a.b  (matches LFQQuantizerEMA_KMeans eval path)
    z_norm = jnp.sum(z_e * z_e, axis=1, keepdims=True)
    cb_norm = jnp.sum(codebook * codebook, axis=1, keepdims=True)
    dots = z_e @ codebook.T
    dist = z_norm + cb_norm.T - 2.0 * dots
    idx = jnp.argmin(dist, axis=1)
    z_q = jnp.take(codebook, idx, axis=0)
    return z_q, idx


def setup_inputs(seed: int = 0):
    key = jax.random.key(seed)
    ks = jax.random.split(key, 14)
    B, feature_dim, hidden_dim = 16384, 768, 128
    z_dim, q_dim = 64, 32
    num_z_codes, num_q_codes = 8192, 1024
    x = jax.random.normal(ks[0], (B, feature_dim), dtype=jnp.float32)
    enc_W1 = jax.random.normal(ks[1], (64, feature_dim), dtype=jnp.float32) * (2.0 / feature_dim) ** 0.5
    enc_b1 = jnp.zeros((64,), jnp.float32)
    enc_W2 = jax.random.normal(ks[2], (hidden_dim, 64), dtype=jnp.float32) * (2.0 / 64) ** 0.5
    enc_b2 = jnp.zeros((hidden_dim,), jnp.float32)
    lat_W = jax.random.normal(ks[3], (z_dim, hidden_dim), dtype=jnp.float32)
    lat_b = jnp.zeros((z_dim,), jnp.float32)
    lat_ci = jnp.ones((z_dim,), jnp.float32)
    z_codebook = jax.random.normal(ks[4], (num_z_codes, z_dim), dtype=jnp.float32) * (2.0 / z_dim) ** 0.5
    qenc_W = jax.random.normal(ks[5], (q_dim, z_dim), dtype=jnp.float32)
    qenc_b = jnp.zeros((q_dim,), jnp.float32)
    qenc_ci = jnp.ones((q_dim,), jnp.float32)
    q_codebook = jax.random.normal(ks[6], (num_q_codes, q_dim), dtype=jnp.float32) * (2.0 / q_dim) ** 0.5
    return {
        "x": x,
        "enc_W1": enc_W1, "enc_b1": enc_b1,
        "enc_W2": enc_W2, "enc_b2": enc_b2,
        "lat_W": lat_W, "lat_b": lat_b, "lat_ci": lat_ci,
        "z_codebook": z_codebook,
        "qenc_W": qenc_W, "qenc_b": qenc_b, "qenc_ci": qenc_ci,
        "q_codebook": q_codebook,
    }


def reference(x, enc_W1, enc_b1, enc_W2, enc_b2, lat_W, lat_b, lat_ci,
              z_codebook, qenc_W, qenc_b, qenc_ci, q_codebook):
    # encoder: Linear(feature_dim,64)+GELU, Linear(64,hidden)+GELU
    h = jax.nn.gelu(x @ enc_W1.T + enc_b1)
    h = jax.nn.gelu(h @ enc_W2.T + enc_b2)
    # LipschitzMLP to z latent
    z_e = jax.nn.sigmoid(h @ _normalization(lat_W, lat_ci).T + lat_b)
    # level-1 quantization (EMA quantizer, eval path)
    z_q, z_idx = _quantize(z_e, z_codebook)
    # LipschitzMLP q_encoder: z_dim -> q_dim
    q_e = jax.nn.sigmoid(z_q @ _normalization(qenc_W, qenc_ci).T + qenc_b)
    # level-2 quantization
    q_q, q_idx = _quantize(q_e, q_codebook)
    return (z_q, z_idx, q_q, q_idx)

if __name__ == "__main__":
    import jax
    _d = setup_inputs()
    print(jax.jit(kernel)(*tuple(_d.values())))

</pallas_src>

<mosaic_0001>
#map = affine_map<(d0, d1) -> (0, 0)>
#map1 = affine_map<(d0, d1) -> (0)>
module attributes {stable_mosaic.version = 14 : i64} {
  func.func @k(%arg0: i32, %arg1: i32, %arg2: memref<8192x128xf32, #tpu.memory_space<hbm>>, %arg3: memref<16384xi32, #tpu.memory_space<hbm>>, %arg4: memref<16384x128xf32, #tpu.memory_space<hbm>>, %arg5: memref<512xi32, #tpu.memory_space<vmem>>, %arg6: memref<512x128xf32, #tpu.memory_space<vmem>>, %arg7: memref<!tpu.dma_semaphore, #tpu.memory_space<semaphore_mem>>) attributes {dimension_semantics = [#tpu.dimension_semantics<core_parallel>, #tpu.dimension_semantics<subcore_parallel>], iteration_bounds = array<i64: 2, 16>, scalar_prefetch = 0 : i64, scratch_operands = 3 : i64, tpu.core_type = #tpu.core_type<sc_vector_subcore>, window_params = [{transform_indices = #map}, {transform_indices = #map1}, {transform_indices = #map}]} {
    %mul3A = arith.constant 2 : i32
    %mul3A_0 = arith.muli %arg1, %mul3A : i32
    %add3A = arith.addi %mul3A_0, %arg0 : i32
    %mul3A_1 = arith.constant 512 : i32
    %mul3A_2 = arith.muli %add3A, %mul3A_1 : i32
    "tpu.region"() ({
      %run_scoped3A = tpu.sem_alloc : memref<!tpu.dma_semaphore, #tpu.memory_space<semaphore_mem>>
      %dma_start3A = tpu.memref_slice %arg3[%mul3A_2] : memref<16384xi32, #tpu.memory_space<hbm>> -> memref<512xi32, #tpu.memory_space<hbm>>
      %dma_start3A_3 = tpu.memref_slice %arg3[%mul3A_2] : memref<16384xi32, #tpu.memory_space<hbm>> -> memref<512xi32, #tpu.memory_space<hbm>>
      tpu.enqueue_dma source(%dma_start3A_3 : memref<512xi32, #tpu.memory_space<hbm>>) target(%arg5 : memref<512xi32, #tpu.memory_space<vmem>>) target_semaphore(%run_scoped3A : memref<!tpu.dma_semaphore, #tpu.memory_space<semaphore_mem>>)
      %dma_wait3A = tpu.memref_slice %arg3[%mul3A_2] : memref<16384xi32, #tpu.memory_space<hbm>> -> memref<512xi32, #tpu.memory_space<hbm>>
      %dma_wait3A_4 = tpu.memref_slice %arg3[%mul3A_2] : memref<16384xi32, #tpu.memory_space<hbm>> -> memref<512xi32, #tpu.memory_space<hbm>>
      tpu.wait_dma2 semaphore(%run_scoped3A : memref<!tpu.dma_semaphore, #tpu.memory_space<semaphore_mem>>) src(%dma_wait3A_4 : memref<512xi32, #tpu.memory_space<hbm>>) dst(%arg5 : memref<512xi32, #tpu.memory_space<vmem>>)
      tpu.yield
    }) : () -> ()
    "tpu.region"() ({
      %run_scoped3A = tpu.sem_alloc : memref<!tpu.dma_semaphore, #tpu.memory_space<semaphore_mem>>
      %dma_start3A = arith.constant 0 : i32
      %dma_start3A_3 = tpu.memref_slice %arg4[%mul3A_2, %dma_start3A] : memref<16384x128xf32, #tpu.memory_space<hbm>> -> memref<512x128xf32, #tpu.memory_space<hbm>>
      %dma_start3A_4 = arith.constant 0 : i32
      %dma_start3A_5 = tpu.memref_slice %arg4[%mul3A_2, %dma_start3A_4] : memref<16384x128xf32, #tpu.memory_space<hbm>> -> memref<512x128xf32, #tpu.memory_space<hbm>>
      tpu.enqueue_dma source(%arg6 : memref<512x128xf32, #tpu.memory_space<vmem>>) target(%dma_start3A_5 : memref<512x128xf32, #tpu.memory_space<hbm>>) target_semaphore(%run_scoped3A : memref<!tpu.dma_semaphore, #tpu.memory_space<semaphore_mem>>)
      %dma_wait3A = arith.constant 0 : i32
      %dma_wait3A_6 = tpu.memref_slice %arg4[%mul3A_2, %dma_wait3A] : memref<16384x128xf32, #tpu.memory_space<hbm>> -> memref<512x128xf32, #tpu.memory_space<hbm>>
      %dma_wait3A_7 = arith.constant 0 : i32
      %dma_wait3A_8 = tpu.memref_slice %arg4[%mul3A_2, %dma_wait3A_7] : memref<16384x128xf32, #tpu.memory_space<hbm>> -> memref<512x128xf32, #tpu.memory_space<hbm>>
      tpu.wait_dma2 semaphore(%run_scoped3A : memref<!tpu.dma_semaphore, #tpu.memory_space<semaphore_mem>>) src(%arg6 : memref<512x128xf32, #tpu.memory_space<vmem>>) dst(%dma_wait3A_8 : memref<512x128xf32, #tpu.memory_space<hbm>>)
      tpu.yield
    }) : () -> ()
    return
  }
}

module attributes {stable_mosaic.version = 14 : i64} {
  func.func @_qtable_kernel(%arg0: i32, %arg1: memref<1024x64xf32, #tpu.memory_space<vmem>>, %arg2: memref<32x64xf32, #tpu.memory_space<vmem>>, %arg3: memref<1x32xf32, #tpu.memory_space<vmem>>, %arg4: memref<32x1xf32, #tpu.memory_space<vmem>>, %arg5: memref<1024x32xf32, #tpu.memory_space<vmem>>, %arg6: memref<1024x128xf32, #tpu.memory_space<vmem>>) attributes {dimension_semantics = [#tpu.dimension_semantics<arbitrary>], iteration_bounds = array<i64: 8>, scalar_prefetch = 0 : i64, scratch_operands = 0 : i64, tpu.core_type = #tpu.core_type<tc>, window_params = [{transform_indices = @transform_0, window_bounds = array<i64: 1024, 64>}, {pipeline_mode = #tpu.pipeline_mode<synchronous>, transform_indices = @transform_1, window_bounds = array<i64: 32, 64>}, {pipeline_mode = #tpu.pipeline_mode<synchronous>, transform_indices = @transform_2, window_bounds = array<i64: 1, 32>}, {pipeline_mode = #tpu.pipeline_mode<synchronous>, transform_indices = @transform_3, window_bounds = array<i64: 32, 1>}, {pipeline_mode = #tpu.pipeline_mode<synchronous>, transform_indices = @transform_4, window_bounds = array<i64: 1024, 32>}, {transform_indices = @transform_5, window_bounds = array<i64: 1024, 128>}]} {
    %get3A = arith.constant 0 : index
    %get3A_0 = arith.constant 0 : index
    %get3A_1 = vector.load %arg2[%get3A, %get3A_0] : memref<32x64xf32, #tpu.memory_space<vmem>>, vector<32x64xf32>
    %get3A_2 = arith.constant 0 : index
    %get3A_3 = arith.constant 0 : index
    %get3A_4 = vector.load %arg4[%get3A_2, %get3A_3] : memref<32x1xf32, #tpu.memory_space<vmem>>, vector<32x1xf32>
    %abs3A = math.absf %get3A_1 : vector<32x64xf32>
    %reduce_sum3A = arith.constant dense<0.000000e+00> : vector<32xf32>
    %reduce_sum3A_5 = vector.multi_reduction <add>, %abs3A, %reduce_sum3A [1] : vector<32x64xf32> to vector<32xf32>
    %broadcast_in_dim3A = vector.shape_cast %reduce_sum3A_5 : vector<32xf32> to vector<32x1xf32>
    %max3A = arith.constant 0.000000e+00 : f32
    %max3A_6 = vector.broadcast %max3A : f32 to vector<32x1xf32>
    %max3A_7 = arith.maximumf %get3A_4, %max3A_6 : vector<32x1xf32>
    %abs3A_8 = math.absf %get3A_4 : vector<32x1xf32>
    %neg3A = arith.constant 0.000000e+00 : f32
    %neg3A_9 = vector.broadcast %neg3A : f32 to vector<32x1xf32>
    %neg3A_10 = arith.subf %neg3A_9, %abs3A_8 : vector<32x1xf32>
    %exp3A = math.exp %neg3A_10 : vector<32x1xf32>
    %add3A = arith.constant 1.000000e+00 : f32
    %add3A_11 = vector.broadcast %add3A : f32 to vector<32x1xf32>
    %add3A_12 = arith.addf %add3A_11, %exp3A : vector<32x1xf32>
    %log3A = math.log %add3A_12 : vector<32x1xf32>
    %add3A_13 = arith.addf %max3A_7, %log3A : vector<32x1xf32>
    %div3A = arith.divf %add3A_13, %broadcast_in_dim3A : vector<32x1xf32>
    %min3A = arith.constant 1.000000e+00 : f32
    %min3A_14 = vector.broadcast %min3A : f32 to vector<32x1xf32>
    %min3A_15 = arith.minimumf %min3A_14, %div3A : vector<32x1xf32>
    %mul3A = vector.broadcast %min3A_15 : vector<32x1xf32> to vector<32x64xf32>
    %mul3A_16 = arith.mulf %get3A_1, %mul3A : vector<32x64xf32>
    %get3A_17 = arith.constant 0 : index
    %get3A_18 = arith.constant 0 : index
    %get3A_19 = vector.load %arg1[%get3A_17, %get3A_18] : memref<1024x64xf32, #tpu.memory_space<vmem>>, vector<1024x64xf32>
    %dot_general3A = arith.constant dense<0.000000e+00> : vector<1024x32xf32>
    %dot_general3A_20 = tpu.matmul %get3A_19, %mul3A_16, %dot_general3A {dimension_numbers = #tpu.dot_dimension_numbers<[1], [1], [0], [0], [0, 0, 1, 0], [], []>, transpose_lhs_hint = false} : vector<1024x64xf32>, vector<32x64xf32>, vector<1024x32xf32> -> vector<1024x32xf32>
    %get3A_21 = arith.constant 0 : index
    %get3A_22 = arith.constant 0 : index
    %get3A_23 = vector.load %arg3[%get3A_21, %get3A_22] : memref<1x32xf32, #tpu.memory_space<vmem>>, vector<1x32xf32>
    %add3A_24 = vector.broadcast %get3A_23 : vector<1x32xf32> to vector<1024x32xf32>
    %add3A_25 = arith.addf %dot_general3A_20, %add3A_24 : vector<1024x32xf32>
    %logistic3A = arith.negf %add3A_25 : vector<1024x32xf32>
    %logistic3A_26 = math.exp %logistic3A : vector<1024x32xf32>
    %logistic3A_27 = arith.constant 1.000000e+00 : f32
    %logistic3A_28 = vector.broadcast %logistic3A_27 : f32 to vector<1024x32xf32>
    %logistic3A_29 = arith.addf %logistic3A_28, %logistic3A_26 : vector<1024x32xf32>
    %logistic3A_30 = arith.divf %logistic3A_28, %logistic3A_29 : vector<1024x32xf32>
    %get3A_31 = arith.constant 0 : index
    %get3A_32 = arith.constant 0 : index
    %get3A_33 = vector.load %arg5[%get3A_31, %get3A_32] : memref<1024x32xf32, #tpu.memory_space<vmem>>, vector<1024x32xf32>
    %dot_general3A_34 = arith.constant dense<0.000000e+00> : vector<1024x1024xf32>
    %dot_general3A_35 = tpu.matmul %logistic3A_30, %get3A_33, %dot_general3A_34 {dimension_numbers = #tpu.dot_dimension_numbers<[1], [1], [0], [0], [0, 0, 1, 0], [], []>, transpose_lhs_hint = false} : vector<1024x32xf32>, vector<1024x32xf32>, vector<1024x1024xf32> -> vector<1024x1024xf32>
    %mul3A_36 = arith.mulf %logistic3A_30, %logistic3A_30 : vector<1024x32xf32>
    %reduce_sum3A_37 = arith.constant dense<0.000000e+00> : vector<1024xf32>
    %reduce_sum3A_38 = vector.multi_reduction <add>, %mul3A_36, %reduce_sum3A_37 [1] : vector<1024x32xf32> to vector<1024xf32>
    %broadcast_in_dim3A_39 = vector.shape_cast %reduce_sum3A_38 : vector<1024xf32> to vector<1024x1xf32>
    %mul3A_40 = arith.mulf %get3A_33, %get3A_33 : vector<1024x32xf32>
    %reduce_sum3A_41 = arith.constant dense<0.000000e+00> : vector<1024xf32>
    %reduce_sum3A_42 = vector.multi_reduction <add>, %mul3A_40, %reduce_sum3A_41 [1] : vector<1024x32xf32> to vector<1024xf32>
    %broadcast_in_dim3A_43 = vector.shape_cast %reduce_sum3A_42 : vector<1024xf32> to vector<1x1024xf32>
    %add3A_44 = vector.broadcast %broadcast_in_dim3A_39 : vector<1024x1xf32> to vector<1024x1024xf32>
    %add3A_45 = vector.broadcast %broadcast_in_dim3A_43 : vector<1x1024xf32> to vector<1024x1024xf32>
    %add3A_46 = arith.addf %add3A_44, %add3A_45 : vector<1024x1024xf32>
    %mul3A_47 = arith.constant 2.000000e+00 : f32
    %mul3A_48 = vector.broadcast %mul3A_47 : f32 to vector<1024x1024xf32>
    %mul3A_49 = arith.mulf %mul3A_48, %dot_general3A_35 : vector<1024x1024xf32>
    %sub3A = arith.subf %add3A_46, %mul3A_49 : vector<1024x1024xf32>
    %reduce_min3A = arith.constant dense<0x7F800000> : vector<1024xf32>
    %reduce_min3A_50 = vector.multi_reduction <minimumf>, %sub3A, %reduce_min3A [1] : vector<1024x1024xf32> to vector<1024xf32>
    %broadcast_in_dim3A_51 = vector.shape_cast %reduce_min3A_50 : vector<1024xf32> to vector<1024x1xf32>
    %iota3A = tpu.iota {dimensions = array<i32: 1>} : vector<1024x1024xi32>
    %eq3A = vector.broadcast %broadcast_in_dim3A_51 : vector<1024x1xf32> to vector<1024x1024xf32>
    %eq3A_52 = arith.cmpf oeq, %sub3A, %eq3A : vector<1024x1024xf32>
    %jit3A = arith.constant 1024 : i32
    %broadcast_in_dim3A_53 = vector.broadcast %jit3A : i32 to vector<1024x1024xi32>
    %select_n3A = arith.select %eq3A_52, %iota3A, %broadcast_in_dim3A_53 : vector<1024x1024xi1>, vector<1024x1024xi32>
    %reduce_min3A_54 = arith.constant dense<2147483647> : vector<1024xi32>
    %reduce_min3A_55 = vector.multi_reduction <minsi>, %select_n3A, %reduce_min3A_54 [1] : vector<1024x1024xi32> to vector<1024xi32>
    %iota3A_56 = tpu.iota {dimensions = array<i32: 1>} : vector<1024x1024xi32>
    %broadcast_in_dim3A_57 = vector.shape_cast %reduce_min3A_55 : vector<1024xi32> to vector<1024x1xi32>
    %eq3A_58 = vector.broadcast %broadcast_in_dim3A_57 : vector<1024x1xi32> to vector<1024x1024xi32>
    %eq3A_59 = arith.cmpi eq, %iota3A_56, %eq3A_58 : vector<1024x1024xi32>
    %convert_element_type3A = arith.extui %eq3A_59 : vector<1024x1024xi1> to vector<1024x1024xi32>
    %convert_element_type3A_60 = arith.sitofp %convert_element_type3A : vector<1024x1024xi32> to vector<1024x1024xf32>
    %dot_general3A_61 = arith.constant dense<0.000000e+00> : vector<1024x32xf32>
    %dot_general3A_62 = tpu.matmul %convert_element_type3A_60, %get3A_33, %dot_general3A_61 {dimension_numbers = #tpu.dot_dimension_numbers<[1], [0], [0], [1], [0, 0, 1, 1], [], []>, transpose_lhs_hint = false} : vector<1024x1024xf32>, vector<1024x32xf32>, vector<1024x32xf32> -> vector<1024x32xf32>
    %bitcast_convert_type3A = tpu.bitcast %reduce_min3A_55 : vector<1024xi32> -> vector<1024xf32>
    %broadcast_in_dim3A_63 = vector.shape_cast %bitcast_convert_type3A : vector<1024xf32> to vector<1024x1xf32>
    %broadcast_in_dim3A_64 = arith.constant 0.000000e+00 : f32
    %broadcast_in_dim3A_65 = vector.broadcast %broadcast_in_dim3A_64 : f32 to vector<1024x31xf32>
    %concatenate3A = tpu.concatenate %get3A_19, %dot_general3A_62, %broadcast_in_dim3A_63, %broadcast_in_dim3A_65 in 1 : vector<1024x64xf32>, vector<1024x32xf32>, vector<1024x1xf32>, vector<1024x31xf32> -> vector<1024x128xf32>
    %swap3A = arith.constant 0 : index
    %swap3A_66 = arith.constant 0 : index
    %swap3A_67 = vector.load %arg6[%swap3A, %swap3A_66] : memref<1024x128xf32, #tpu.memory_space<vmem>>, vector<1024x128xf32>
    tpu.vector_store %arg6[%swap3A, %swap3A_66], %concatenate3A {strides = array<i32>} : memref<1024x128xf32, #tpu.memory_space<vmem>>, vector<1024x128xf32>,
    return
  }
  func.func @transform_0(%arg0: i32) -> (i32, i32) {
    %c0_i32 = arith.constant 0 : i32
    %c0_i32_0 = arith.constant 0 : i32
    return %arg0, %c0_i32 : i32, i32
  }
  func.func @transform_1(%arg0: i32) -> (i32, i32) {
    %c0_i32 = arith.constant 0 : i32
    %c0_i32_0 = arith.constant 0 : i32
    %c0_i32_1 = arith.constant 0 : i32
    return %c0_i32, %c0_i32_0 : i32, i32
  }
  func.func @transform_2(%arg0: i32) -> (i32, i32) {
    %c0_i32 = arith.constant 0 : i32
    %c0_i32_0 = arith.constant 0 : i32
    %c0_i32_1 = arith.constant 0 : i32
    return %c0_i32, %c0_i32_0 : i32, i32
  }
  func.func @transform_3(%arg0: i32) -> (i32, i32) {
    %c0_i32 = arith.constant 0 : i32
    %c0_i32_0 = arith.constant 0 : i32
    %c0_i32_1 = arith.constant 0 : i32
    return %c0_i32, %c0_i32_0 : i32, i32
  }
  func.func @transform_4(%arg0: i32) -> (i32, i32) {
    %c0_i32 = arith.constant 0 : i32
    %c0_i32_0 = arith.constant 0 : i32
    %c0_i32_1 = arith.constant 0 : i32
    return %c0_i32, %c0_i32_0 : i32, i32
  }
  func.func @transform_5(%arg0: i32) -> (i32, i32) {
    %c0_i32 = arith.constant 0 : i32
    %c0_i32_0 = arith.constant 0 : i32
    return %arg0, %c0_i32 : i32, i32
  }
}

module attributes {stable_mosaic.version = 14 : i64} {
  func.func @_enc_argmin_kernel(%arg0: i32, %arg1: memref<256x768xf32, #tpu.memory_space<vmem>>, %arg2: memref<64x768xf32, #tpu.memory_space<vmem>>, %arg3: memref<1x64xf32, #tpu.memory_space<vmem>>, %arg4: memref<128x64xf32, #tpu.memory_space<vmem>>, %arg5: memref<1x128xf32, #tpu.memory_space<vmem>>, %arg6: memref<64x128xf32, #tpu.memory_space<vmem>>, %arg7: memref<1x64xf32, #tpu.memory_space<vmem>>, %arg8: memref<64x1xf32, #tpu.memory_space<vmem>>, %arg9: memref<8192x64xf32, #tpu.memory_space<vmem>>, %arg10: memref<256xi32, #tpu.memory_space<vmem>>, %arg11: memref<1x8192xf32, #tpu.memory_space<vmem>>) attributes {dimension_semantics = [#tpu.dimension_semantics<arbitrary>], iteration_bounds = array<i64: 64>, scalar_prefetch = 0 : i64, scratch_operands = 1 : i64, tpu.core_type = #tpu.core_type<tc>, window_params = [{transform_indices = @transform_0, window_bounds = array<i64: 256, 768>}, {pipeline_mode = #tpu.pipeline_mode<synchronous>, transform_indices = @transform_1, window_bounds = array<i64: 64, 768>}, {pipeline_mode = #tpu.pipeline_mode<synchronous>, transform_indices = @transform_2, window_bounds = array<i64: 1, 64>}, {pipeline_mode = #tpu.pipeline_mode<synchronous>, transform_indices = @transform_3, window_bounds = array<i64: 128, 64>}, {pipeline_mode = #tpu.pipeline_mode<synchronous>, transform_indices = @transform_4, window_bounds = array<i64: 1, 128>}, {pipeline_mode = #tpu.pipeline_mode<synchronous>, transform_indices = @transform_5, window_bounds = array<i64: 64, 128>}, {pipeline_mode = #tpu.pipeline_mode<synchronous>, transform_indices = @transform_6, window_bounds = array<i64: 1, 64>}, {pipeline_mode = #tpu.pipeline_mode<synchronous>, transform_indices = @transform_7, window_bounds = array<i64: 64, 1>}, {pipeline_mode = #tpu.pipeline_mode<synchronous>, transform_indices = @transform_8, window_bounds = array<i64: 8192, 64>}, {transform_indices = @transform_9, window_bounds = array<i64: 256>}]} {
    %eq3A = arith.constant 0 : i32
    %eq3A_0 = arith.cmpi eq, %arg0, %eq3A : i32
    %convert_element_type3A = arith.extui %eq3A_0 : i1 to i32
    %cond3A = arith.constant 0 : i32
    %cond3A_1 = arith.cmpi ne, %convert_element_type3A, %cond3A : i32
    scf.if %cond3A_1 {
      %get3A_111 = arith.constant 0 : index
      %get3A_112 = arith.constant 0 : index
      %get3A_113 = vector.load %arg9[%get3A_111, %get3A_112] : memref<8192x64xf32, #tpu.memory_space<vmem>>, vector<8192x64xf32>
      %mul3A_114 = arith.mulf %get3A_113, %get3A_113 : vector<8192x64xf32>
      %reduce_sum3A_115 = arith.constant dense<0.000000e+00> : vector<8192xf32>
      %reduce_sum3A_116 = vector.multi_reduction <add>, %mul3A_114, %reduce_sum3A_115 [1] : vector<8192x64xf32> to vector<8192xf32>
      %broadcast_in_dim3A_117 = vector.shape_cast %reduce_sum3A_116 : vector<8192xf32> to vector<1x8192xf32>
      %swap3A_118 = arith.constant 0 : index
      %swap3A_119 = arith.constant 0 : index
      %swap3A_120 = vector.load %arg11[%swap3A_118, %swap3A_119] : memref<1x8192xf32, #tpu.memory_space<vmem>>, vector<1x8192xf32>
      tpu.vector_store %arg11[%swap3A_118, %swap3A_119], %broadcast_in_dim3A_117 {strides = array<i32>} : memref<1x8192xf32, #tpu.memory_space<vmem>>, vector<1x8192xf32>,
    } else {
    }
    %get3A = arith.constant 0 : index
    %get3A_2 = arith.constant 0 : index
    %get3A_3 = vector.load %arg1[%get3A, %get3A_2] : memref<256x768xf32, #tpu.memory_space<vmem>>, vector<256x768xf32>
    %get3A_4 = arith.constant 0 : index
    %get3A_5 = arith.constant 0 : index
    %get3A_6 = vector.load %arg2[%get3A_4, %get3A_5] : memref<64x768xf32, #tpu.memory_space<vmem>>, vector<64x768xf32>
    %dot_general3A = arith.constant dense<0.000000e+00> : vector<256x64xf32>
    %dot_general3A_7 = tpu.matmul %get3A_3, %get3A_6, %dot_general3A {dimension_numbers = #tpu.dot_dimension_numbers<[1], [1], [0], [0], [0, 0, 1, 0], [], []>, transpose_lhs_hint = false} : vector<256x768xf32>, vector<64x768xf32>, vector<256x64xf32> -> vector<256x64xf32>
    %get3A_8 = arith.constant 0 : index
    %get3A_9 = arith.constant 0 : index
    %get3A_10 = vector.load %arg3[%get3A_8, %get3A_9] : memref<1x64xf32, #tpu.memory_space<vmem>>, vector<1x64xf32>
    %add3A = vector.broadcast %get3A_10 : vector<1x64xf32> to vector<256x64xf32>
    %add3A_11 = arith.addf %dot_general3A_7, %add3A : vector<256x64xf32>
    %integer_pow3A = arith.mulf %add3A_11, %add3A_11 : vector<256x64xf32>
    %integer_pow3A_12 = arith.mulf %add3A_11, %integer_pow3A : vector<256x64xf32>
    %mul3A = arith.constant 4.471500e-02 : f32
    %mul3A_13 = vector.broadcast %mul3A : f32 to vector<256x64xf32>
    %mul3A_14 = arith.mulf %mul3A_13, %integer_pow3A_12 : vector<256x64xf32>
    %add3A_15 = arith.addf %add3A_11, %mul3A_14 : vector<256x64xf32>
    %mul3A_16 = arith.constant 0.797884583 : f32
    %mul3A_17 = vector.broadcast %mul3A_16 : f32 to vector<256x64xf32>
    %mul3A_18 = arith.mulf %mul3A_17, %add3A_15 : vector<256x64xf32>
    %tanh3A = math.tanh %mul3A_18 : vector<256x64xf32>
    %add3A_19 = arith.constant 1.000000e+00 : f32
    %add3A_20 = vector.broadcast %add3A_19 : f32 to vector<256x64xf32>
    %add3A_21 = arith.addf %add3A_20, %tanh3A : vector<256x64xf32>
    %mul3A_22 = arith.constant 5.000000e-01 : f32
    %mul3A_23 = vector.broadcast %mul3A_22 : f32 to vector<256x64xf32>
    %mul3A_24 = arith.mulf %mul3A_23, %add3A_21 : vector<256x64xf32>
    %mul3A_25 = arith.mulf %add3A_11, %mul3A_24 : vector<256x64xf32>
    %get3A_26 = arith.constant 0 : index
    %get3A_27 = arith.constant 0 : index
    %get3A_28 = vector.load %arg4[%get3A_26, %get3A_27] : memref<128x64xf32, #tpu.memory_space<vmem>>, vector<128x64xf32>
    %dot_general3A_29 = arith.constant dense<0.000000e+00> : vector<256x128xf32>
    %dot_general3A_30 = tpu.matmul %mul3A_25, %get3A_28, %dot_general3A_29 {dimension_numbers = #tpu.dot_dimension_numbers<[1], [1], [0], [0], [0, 0, 1, 0], [], []>, transpose_lhs_hint = false} : vector<256x64xf32>, vector<128x64xf32>, vector<256x128xf32> -> vector<256x128xf32>
    %get3A_31 = arith.constant 0 : index
    %get3A_32 = arith.constant 0 : index
    %get3A_33 = vector.load %arg5[%get3A_31, %get3A_32] : memref<1x128xf32, #tpu.memory_space<vmem>>, vector<1x128xf32>
    %add3A_34 = vector.broadcast %get3A_33 : vector<1x128xf32> to vector<256x128xf32>
    %add3A_35 = arith.addf %dot_general3A_30, %add3A_34 : vector<256x128xf32>
    %integer_pow3A_36 = arith.mulf %add3A_35, %add3A_35 : vector<256x128xf32>
    %integer_pow3A_37 = arith.mulf %add3A_35, %integer_pow3A_36 : vector<256x128xf32>
    %mul3A_38 = arith.constant 4.471500e-02 : f32
    %mul3A_39 = vector.broadcast %mul3A_38 : f32 to vector<256x128xf32>
    %mul3A_40 = arith.mulf %mul3A_39, %integer_pow3A_37 : vector<256x128xf32>
    %add3A_41 = arith.addf %add3A_35, %mul3A_40 : vector<256x128xf32>
    %mul3A_42 = arith.constant 0.797884583 : f32
    %mul3A_43 = vector.broadcast %mul3A_42 : f32 to vector<256x128xf32>
    %mul3A_44 = arith.mulf %mul3A_43, %add3A_41 : vector<256x128xf32>
    %tanh3A_45 = math.tanh %mul3A_44 : vector<256x128xf32>
    %add3A_46 = arith.constant 1.000000e+00 : f32
    %add3A_47 = vector.broadcast %add3A_46 : f32 to vector<256x128xf32>
    %add3A_48 = arith.addf %add3A_47, %tanh3A_45 : vector<256x128xf32>
    %mul3A_49 = arith.constant 5.000000e-01 : f32
    %mul3A_50 = vector.broadcast %mul3A_49 : f32 to vector<256x128xf32>
    %mul3A_51 = arith.mulf %mul3A_50, %add3A_48 : vector<256x128xf32>
    %mul3A_52 = arith.mulf %add3A_35, %mul3A_51 : vector<256x128xf32>
    %get3A_53 = arith.constant 0 : index
    %get3A_54 = arith.constant 0 : index
    %get3A_55 = vector.load %arg6[%get3A_53, %get3A_54] : memref<64x128xf32, #tpu.memory_space<vmem>>, vector<64x128xf32>
    %get3A_56 = arith.constant 0 : index
    %get3A_57 = arith.constant 0 : index
    %get3A_58 = vector.load %arg8[%get3A_56, %get3A_57] : memref<64x1xf32, #tpu.memory_space<vmem>>, vector<64x1xf32>
    %abs3A = math.absf %get3A_55 : vector<64x128xf32>
    %reduce_sum3A = arith.constant dense<0.000000e+00> : vector<64xf32>
    %reduce_sum3A_59 = vector.multi_reduction <add>, %abs3A, %reduce_sum3A [1] : vector<64x128xf32> to vector<64xf32>
    %broadcast_in_dim3A = vector.shape_cast %reduce_sum3A_59 : vector<64xf32> to vector<64x1xf32>
    %max3A = arith.constant 0.000000e+00 : f32
    %max3A_60 = vector.broadcast %max3A : f32 to vector<64x1xf32>
    %max3A_61 = arith.maximumf %get3A_58, %max3A_60 : vector<64x1xf32>
    %abs3A_62 = math.absf %get3A_58 : vector<64x1xf32>
    %neg3A = arith.constant 0.000000e+00 : f32
    %neg3A_63 = vector.broadcast %neg3A : f32 to vector<64x1xf32>
    %neg3A_64 = arith.subf %neg3A_63, %abs3A_62 : vector<64x1xf32>
    %exp3A = math.exp %neg3A_64 : vector<64x1xf32>
    %add3A_65 = arith.constant 1.000000e+00 : f32
    %add3A_66 = vector.broadcast %add3A_65 : f32 to vector<64x1xf32>
    %add3A_67 = arith.addf %add3A_66, %exp3A : vector<64x1xf32>
    %log3A = math.log %add3A_67 : vector<64x1xf32>
    %add3A_68 = arith.addf %max3A_61, %log3A : vector<64x1xf32>
    %div3A = arith.divf %add3A_68, %broadcast_in_dim3A : vector<64x1xf32>
    %min3A = arith.constant 1.000000e+00 : f32
    %min3A_69 = vector.broadcast %min3A : f32 to vector<64x1xf32>
    %min3A_70 = arith.minimumf %min3A_69, %div3A : vector<64x1xf32>
    %mul3A_71 = vector.broadcast %min3A_70 : vector<64x1xf32> to vector<64x128xf32>
    %mul3A_72 = arith.mulf %get3A_55, %mul3A_71 : vector<64x128xf32>
    %dot_general3A_73 = arith.constant dense<0.000000e+00> : vector<256x64xf32>
    %dot_general3A_74 = tpu.matmul %mul3A_52, %mul3A_72, %dot_general3A_73 {dimension_numbers = #tpu.dot_dimension_numbers<[1], [1], [0], [0], [0, 0, 1, 0], [], []>, transpose_lhs_hint = false} : vector<256x128xf32>, vector<64x128xf32>, vector<256x64xf32> -> vector<256x64xf32>
    %get3A_75 = arith.constant 0 : index
    %get3A_76 = arith.constant 0 : index
    %get3A_77 = vector.load %arg7[%get3A_75, %get3A_76] : memref<1x64xf32, #tpu.memory_space<vmem>>, vector<1x64xf32>
    %add3A_78 = vector.broadcast %get3A_77 : vector<1x64xf32> to vector<256x64xf32>
    %add3A_79 = arith.addf %dot_general3A_74, %add3A_78 : vector<256x64xf32>
    %logistic3A = arith.negf %add3A_79 : vector<256x64xf32>
    %logistic3A_80 = math.exp %logistic3A : vector<256x64xf32>
    %logistic3A_81 = arith.constant 1.000000e+00 : f32
    %logistic3A_82 = vector.broadcast %logistic3A_81 : f32 to vector<256x64xf32>
    %logistic3A_83 = arith.addf %logistic3A_82, %logistic3A_80 : vector<256x64xf32>
    %logistic3A_84 = arith.divf %logistic3A_82, %logistic3A_83 : vector<256x64xf32>
    %get3A_85 = arith.constant 0 : index
    %get3A_86 = arith.constant 0 : index
    %get3A_87 = vector.load %arg9[%get3A_85, %get3A_86] : memref<8192x64xf32, #tpu.memory_space<vmem>>, vector<8192x64xf32>
    %dot_general3A_88 = arith.constant dense<0.000000e+00> : vector<256x8192xf32>
    %dot_general3A_89 = tpu.matmul %logistic3A_84, %get3A_87, %dot_general3A_88 {dimension_numbers = #tpu.dot_dimension_numbers<[1], [1], [0], [0], [0, 0, 1, 0], [], []>, transpose_lhs_hint = false} : vector<256x64xf32>, vector<8192x64xf32>, vector<256x8192xf32> -> vector<256x8192xf32>
    %mul3A_90 = arith.mulf %logistic3A_84, %logistic3A_84 : vector<256x64xf32>
    %reduce_sum3A_91 = arith.constant dense<0.000000e+00> : vector<256xf32>
    %reduce_sum3A_92 = vector.multi_reduction <add>, %mul3A_90, %reduce_sum3A_91 [1] : vector<256x64xf32> to vector<256xf32>
    %broadcast_in_dim3A_93 = vector.shape_cast %reduce_sum3A_92 : vector<256xf32> to vector<256x1xf32>
    %get3A_94 = arith.constant 0 : index
    %get3A_95 = arith.constant 0 : index
    %get3A_96 = vector.load %arg11[%get3A_94, %get3A_95] : memref<1x8192xf32, #tpu.memory_space<vmem>>, vector<1x8192xf32>
    %add3A_97 = vector.broadcast %broadcast_in_dim3A_93 : vector<256x1xf32> to vector<256x8192xf32>
    %add3A_98 = vector.broadcast %get3A_96 : vector<1x8192xf32> to vector<256x8192xf32>
    %add3A_99 = arith.addf %add3A_97, %add3A_98 : vector<256x8192xf32>
    %mul3A_100 = arith.constant 2.000000e+00 : f32
    %mul3A_101 = vector.broadcast %mul3A_100 : f32 to vector<256x8192xf32>
    %mul3A_102 = arith.mulf %mul3A_101, %dot_general3A_89 : vector<256x8192xf32>
    %sub3A = arith.subf %add3A_99, %mul3A_102 : vector<256x8192xf32>
    %reduce_min3A = arith.constant dense<0x7F800000> : vector<256xf32>
    %reduce_min3A_103 = vector.multi_reduction <minimumf>, %sub3A, %reduce_min3A [1] : vector<256x8192xf32> to vector<256xf32>
    %broadcast_in_dim3A_104 = vector.shape_cast %reduce_min3A_103 : vector<256xf32> to vector<256x1xf32>
    %iota3A = tpu.iota {dimensions = array<i32: 1>} : vector<256x8192xi32>
    %eq3A_105 = vector.broadcast %broadcast_in_dim3A_104 : vector<256x1xf32> to vector<256x8192xf32>
    %eq3A_106 = arith.cmpf oeq, %sub3A, %eq3A_105 : vector<256x8192xf32>
    %jit3A = arith.constant 8192 : i32
    %broadcast_in_dim3A_107 = vector.broadcast %jit3A : i32 to vector<256x8192xi32>
    %select_n3A = arith.select %eq3A_106, %iota3A, %broadcast_in_dim3A_107 : vector<256x8192xi1>, vector<256x8192xi32>
    %reduce_min3A_108 = arith.constant dense<2147483647> : vector<256xi32>
    %reduce_min3A_109 = vector.multi_reduction <minsi>, %select_n3A, %reduce_min3A_108 [1] : vector<256x8192xi32> to vector<256xi32>
    %swap3A = arith.constant 0 : index
    %swap3A_110 = vector.load %arg10[%swap3A] : memref<256xi32, #tpu.memory_space<vmem>>, vector<256xi32>
    tpu.vector_store %arg10[%swap3A], %reduce_min3A_109 {strides = array<i32>} : memref<256xi32, #tpu.memory_space<vmem>>, vector<256xi32>,
    return
  }
  func.func @transform_0(%arg0: i32) -> (i32, i32) {
    %c0_i32 = arith.constant 0 : i32
    %c0_i32_0 = arith.constant 0 : i32
    return %arg0, %c0_i32 : i32, i32
  }
  func.func @transform_1(%arg0: i32) -> (i32, i32) {
    %c0_i32 = arith.constant 0 : i32
    %c0_i32_0 = arith.constant 0 : i32
    %c0_i32_1 = arith.constant 0 : i32
    return %c0_i32, %c0_i32_0 : i32, i32
  }
  func.func @transform_2(%arg0: i32) -> (i32, i32) {
    %c0_i32 = arith.constant 0 : i32
    %c0_i32_0 = arith.constant 0 : i32
    %c0_i32_1 = arith.constant 0 : i32
    return %c0_i32, %c0_i32_0 : i32, i32
  }
  func.func @transform_3(%arg0: i32) -> (i32, i32) {
    %c0_i32 = arith.constant 0 : i32
    %c0_i32_0 = arith.constant 0 : i32
    %c0_i32_1 = arith.constant 0 : i32
    return %c0_i32, %c0_i32_0 : i32, i32
  }
  func.func @transform_4(%arg0: i32) -> (i32, i32) {
    %c0_i32 = arith.constant 0 : i32
    %c0_i32_0 = arith.constant 0 : i32
    %c0_i32_1 = arith.constant 0 : i32
    return %c0_i32, %c0_i32_0 : i32, i32
  }
  func.func @transform_5(%arg0: i32) -> (i32, i32) {
    %c0_i32 = arith.constant 0 : i32
    %c0_i32_0 = arith.constant 0 : i32
    %c0_i32_1 = arith.constant 0 : i32
    return %c0_i32, %c0_i32_0 : i32, i32
  }
  func.func @transform_6(%arg0: i32) -> (i32, i32) {
    %c0_i32 = arith.constant 0 : i32
    %c0_i32_0 = arith.constant 0 : i32
    %c0_i32_1 = arith.constant 0 : i32
    return %c0_i32, %c0_i32_0 : i32, i32
  }
  func.func @transform_7(%arg0: i32) -> (i32, i32) {
    %c0_i32 = arith.constant 0 : i32
    %c0_i32_0 = arith.constant 0 : i32
    %c0_i32_1 = arith.constant 0 : i32
    return %c0_i32, %c0_i32_0 : i32, i32
  }
  func.func @transform_8(%arg0: i32) -> (i32, i32) {
    %c0_i32 = arith.constant 0 : i32
    %c0_i32_0 = arith.constant 0 : i32
    %c0_i32_1 = arith.constant 0 : i32
    return %c0_i32, %c0_i32_0 : i32, i32
  }
  func.func @transform_9(%arg0: i32) -> i32 {
    %c0_i32 = arith.constant 0 : i32
    return %arg0 : i32
  }
}

</mosaic_0001>

<sc_bundles>
// kernel: kernel.5.cloned.1.call-start
scs
__scs_entry_jumppad:
0x0: {  	(pc) =	sbr.rel $0x88, $3  }
0x1: {  	(tag) =	ssettag $0x0;
	lr =	simm.s32 $0x1  }
0x2: {  	[smem:$0x3F94] =	sst lr;
	_ =	strace $0xD0000000  }
0x3: {  	_ = 	snop  }
0x4: {  	_ = 	snop  }
0x5: {  	_ = 	snop  }
0x6: {  	_ = 	snop  }
0x7: {  	_ = 	snop  }
__scs_overlays_trampoline_lowered:
0x8: {  	[smem:$0x3FA3] =	sst s0  }
0x9: {  	[smem:$0x3FA4] =	sst s1  }
0xa: {  	[smem:$0x3FA5] =	sst s2  }
0xb: {  	[smem:$0x3FA6] =	sst s3  }
0xc: {  	[smem:$0x3FA7] =	sst s4  }
0xd: {  	[smem:$0x3FA8] =	sst s5  }
0xe: {  	[smem:$0x3FA9] =	sst s6  }
0xf: {  	[smem:$0x3FAA] =	sst s7  }
0x10: {  	[smem:$0x3FAB] =	sst s8  }
0x11: {  	[smem:$0x3FAC] =	sst s9;
	s0 =	simm.s32 @!p0 $0x0  }
0x12: {  	s1 =	sld [smem:$0x3F92];
	s0 =	simm.s32 @p0 $0x1  }
0x13: {  	[smem:$0x3FAD] =	sst s0;
	s0 =	simm.s32 @!p1 $0x0  }
0x14: {  	s2 =	sld [smem:$0x3F91];
	s0 =	simm.s32 @p1 $0x1  }
0x15: {  	[smem:$0x3FAE] =	sst s0;
	s0 =	simm.s32 @!p2 $0x0  }
0x16: {  	s3 =	sld [smem:$0x3FDB];
	s0 =	simm.s32 @p2 $0x1  }
0x17: {  	s4 =	simm.s32 $0x1BF5;
	[smem:$0x3FB0] =	sst s0  }
0x18: {  	s0 =	sld [smem:$0x3F93];
	_ =	swait.ge [sflag:s4], $0x0  }
0x19: {  	s7 =	sld [smem:$0x3F94]  }
0x1a: {  	s8 =	sadd.s32 $0xFFFFE003, lr  }
0x1b: {  	s9 =	sadd.s32 $0xFFFFFEF7, lr;
	s5 =	simm.s32 $0xFFFFFFFF;
	p2 =	slt.u32 s8, $0xFFFFF086  }
0x1c: {  	p1 =	slt.u32 s9, $0xF7A;
	s5 =	simm.s32 @!p2 $0x0  }
0x1d: {  	s5 =	simm.s32 @p1 $0x1;
	p0 =	seq.s32 s7, s2  }
0x1e: {  	s7 =	smul.u32 @!p0 $0xF7A, s2;
	p2 =	seq.s32 @!p0 s5, $0x0  }
0x1f: {  	s9 =	smul.u32 $0xF7A, s1;
	s8 =	simm.s32 @!p0 $0x1BF5;
	p2 =	por !p2, p0  }
0x20: {  	[sflag:s8] =	ssyncset.s32 @!p0 $0xFFFFF086;
	s6 =	sadd.s32 @!p0 s3, s7;
	s7 =	simm.s32 @!p0 $0x108  }
0x21: {  	s3 =	sadd.s32 s3, s9;
	s6 =	sadd.s32 @!p0 $0x88, s6;
	s7 =	simm.s32 @p2 $0x1082  }
0x22: {  	[simem:s7], [sflag:s8] =	dma.local @!p0 [hbm:s6], $0xF7A  }
0x23: {  	s9 =	sor.u32 $0xD0000000, s2;
	s6 =	simm.s32 $0x108;
	_ =	swait.ge @!p0 [sflag:s8], $0x0  }
0x24: {  	s3 =	sadd.s32 $0x88, s3;
	s6 =	simm.s32 @!p1 $0x1082;
	[sflag:s4] =	ssyncset.s32 $0xFFFFF086  }
0x25: {  	[simem:s6], [sflag:s4] =	dma.local [hbm:s3], $0xF7A  }
0x26: {  	[smem:$0x3F94] =	sst s1;
	(tag) =	ssettag s2;
	_ =	strace s9  }
0x27: {  	s1 =	sld [smem:$0x3FA4]  }
0x28: {  	s2 =	sld [smem:$0x3FA5]  }
0x29: {  	s4 =	sld [smem:$0x3FA7]  }
0x2a: {  	p0 =	seq.s32 s5, $0x0;
	s5 =	sld [smem:$0x3FA8]  }
0x2b: {  	s6 =	sld [smem:$0x3FA9]  }
0x2c: {  	s7 =	sld [smem:$0x3FAA]  }
0x2d: {  	s3 =	simm.s32 $0x108;
	s8 =	sld [smem:$0x3FAB]  }
0x2e: {  	s3 =	simm.s32 @!p0 $0x1082;
	s9 =	sld [smem:$0x3FAC]  }
0x2f: {  	lr =	sadd.s32 s0, s3;
	s0 =	sld [smem:$0x3FA3]  }
0x30: {  	s3 =	sld [smem:$0x3FA6]  }
0x31: {  	[smem:$0x3FAF] =	sst s10  }
0x32: {  	s10 =	sld [smem:$0x3FAD];
	_ =	sdelay $0x3  }
0x33: {  	p0 =	seq.s32 s10, $0x1;
	s10 =	sld [smem:$0x3FAF];
	_ =	sdelay $0x3  }
0x34: {  	[smem:$0x3FAF] =	sst s10  }
0x35: {  	s10 =	sld [smem:$0x3FAE];
	_ =	sdelay $0x3  }
0x36: {  	p1 =	seq.s32 s10, $0x1;
	s10 =	sld [smem:$0x3FAF];
	_ =	sdelay $0x3  }
0x37: {  	[smem:$0x3FAF] =	sst s10  }
0x38: {  	s10 =	sld [smem:$0x3FB0]  }
0x39: {  	_ = 	snop;
	(pc) =	sbr.ind lr, $3  }
0x3a: {  	_ = 	snop  }
0x3b: {  	_ = 	snop  }
0x3c: {  	p2 =	seq.s32 s10, $0x1;
	s10 =	sld [smem:$0x3FAF]  }
0x3d: {  	_ =	shalt  }
0x3e: {  	_ =	shalt  }
0x3f: {  	_ =	shalt  }
0x40: {  	_ =	shalt  }
0x41: {  	_ =	shalt  }
0x42: {  	_ =	shalt  }
0x43: {  	_ =	shalt  }
0x44: {  	_ =	shalt  }
0x45: {  	_ =	shalt  }
0x46: {  	_ =	shalt  }
0x47: {  	_ =	shalt  }
0x48: {  	_ =	shalt  }
0x49: {  	_ =	shalt  }
0x4a: {  	_ =	shalt  }
0x4b: {  	_ =	shalt  }
0x4c: {  	_ =	shalt  }
0x4d: {  	_ =	shalt  }
0x4e: {  	_ =	shalt  }
0x4f: {  	_ =	shalt  }
0x50: {  	_ =	shalt  }
0x51: {  	_ =	shalt  }
0x52: {  	_ =	shalt  }
0x53: {  	_ =	shalt  }
0x54: {  	_ =	shalt  }
0x55: {  	_ =	shalt  }
0x56: {  	_ =	shalt  }
0x57: {  	_ =	shalt  }
0x58: {  	_ =	shalt  }
0x59: {  	_ =	shalt  }
0x5a: {  	_ =	shalt  }
0x5b: {  	_ =	shalt  }
0x5c: {  	_ =	shalt  }
0x5d: {  	_ =	shalt  }
0x5e: {  	_ =	shalt  }
0x5f: {  	_ =	shalt  }
0x60: {  	_ =	shalt  }
0x61: {  	_ =	shalt  }
0x62: {  	_ =	shalt  }
0x63: {  	_ =	shalt  }
0x64: {  	_ =	shalt  }
0x65: {  	_ =	shalt  }
0x66: {  	_ =	shalt  }
0x67: {  	_ =	shalt  }
0x68: {  	_ =	shalt  }
0x69: {  	_ =	shalt  }
0x6a: {  	_ =	shalt  }
0x6b: {  	_ =	shalt  }
0x6c: {  	_ =	shalt  }
0x6d: {  	_ =	shalt  }
0x6e: {  	_ =	shalt  }
0x6f: {  	_ =	shalt  }
0x70: {  	_ =	shalt  }
0x71: {  	_ =	shalt  }
0x72: {  	_ =	shalt  }
0x73: {  	_ =	shalt  }
0x74: {  	_ =	shalt  }
0x75: {  	_ =	shalt  }
0x76: {  	_ =	shalt  }
0x77: {  	_ =	shalt  }
0x78: {  	_ =	shalt  }
0x79: {  	_ =	shalt  }
0x7a: {  	_ =	shalt  }
0x7b: {  	_ =	shalt  }
0x7c: {  	_ =	shalt  }
0x7d: {  	_ =	shalt  }
0x7e: {  	_ =	shalt  }
0x7f: {  	_ =	shalt  }
0x80: {  	_ =	shalt  }
0x81: {  	_ =	shalt  }
0x82: {  	_ =	shalt  }
0x83: {  	_ =	shalt  }
0x84: {  	_ =	shalt  }
0x85: {  	_ =	shalt  }
0x86: {  	_ =	shalt  }
0x87: {  	_ =	shalt  }
.Lfunc_end0:
.L_simem_size_0:
called_computation_lowered:
.L_overlay_start_0:
0x88: {  	s2 =	sld [smem:$0x3FD9]  }
0x89: {  	s3 =	sld [smem:$0x3FFE];
	_ =	sdelay $0x1  }
0x8a: {  	s1 =	srdreg.scid  }
0x8b: {  	s0 =	sand.u32 $0x1, s1  }
0x8c: {  	s14 =	sshll.u32 s0, $0xA;
	s2 =	sadd.s32 s3, s2  }
0x8d: {  	s2 =	sadd.s32 s2, s14  }
0x8e: {  	[smem:$0x3FBB] =	sst s2  }
0x8f: {  	_ = 	snop  }
0x90: {  	s2 =	sld [smem:$0x3FD0];
	_ =	sdelay $0x2  }
0x91: {  	s15 =	simm.s32 $0xA;
	s4 =	simm.s32 $0x10  }
0x92: {  	[smem:s4], [sflag:s15] =	dma.local [hbm:s2], $0x1  }
0x93: {  	_ =	swait.eq [sflag:s15], $0x1  }
0x94: {  	[sflag:s15] =	ssyncset.done $0x0  }
0x95: {  	[sflag:s15] =	ssyncadd.s32 $0xFFFFFFFF  }
0x96: {  	s16 =	sld [smem:$0x11];
	(tm) =	ssettm $0x1  }
0x97: {  	s17 =	sld [smem:$0x3FFB];
	_ =	sdelay $0x3  }
0x98: {  	_ =	strace s17  }
0x99: {  	s3 =	sld [smem:$0x3FFC];
	_ =	sdelay $0x3  }
0x9a: {  	_ =	strace s3  }
0x9b: {  	s3 =	sld [smem:$0x3FFD];
	_ =	sdelay $0x3  }
0x9c: {  	_ =	strace s3  }
0x9d: {  	_ =	strace $0x8FFFFFFF  }
0x9e: {  	s18 =	sld [smem:$0x3FDB];
	_ =	sdelay $0x1  }
0x9f: {  	s19 =	simm.s32 $_scs_section_size  }
0xa0: {  	s5 =	simm.s32 $_size__tile_overlayer_lowered;
	s6 =	simm.s32 $_tile_overlayer_lowered  }
0xa1: {  	s22 =	simm.s32 $0x1BFF;
	s21 =	sshll.u32 s6, $0x1;
	s3 =	sadd.s32 s19, s18  }
0xa2: {  	s7 =	simm.s32 $0x0;
	s20 =	sshll.u32 s5, $0x1;
	s5 =	sadd.s32 s21, s3  }
0xa3: {  	[timem:s7], [sflag:s22] =	dma.local [hbm:s5], s20  }
0xa4: {  	_ =	swait.ge [sflag:s22], s20  }
0xa5: {  	s4 =	ssub.s32 $0x0, s20;
	[sflag:s22] =	ssyncset.done $0x0  }
0xa6: {  	[sflag:s22] =	ssyncadd.s32 s4;
	_ =	sdelay $0x1  }
0xa7: {  	s23 =	simm.s32 $0x1B8B  }
0xa8: {  	_ =	swait.ge [sflag:s23], $0x1  }
0xa9: {  	[sflag:s23] =	ssyncset.done $0x0  }
0xaa: {  	s25 =	simm.s32 $0x1B8E;
	s24 =	sld [smem:$0x3FFE];
	[sflag:s23] =	ssyncadd.s32 $0xFFFFFFFF  }
0xab: {  	s26 =	simm.s32 $execute0_lowered;
	[smem:$0x3FD2] =	sst s25  }
0xac: {  	s5 =	sshll.u32 s26, $0x1;
	_ =	strace $0x80000046;
	[dreg:$0x1] =	wrdreg $0xFFFFFFFF  }
0xad: {  	s28 =	simm.s32 $_size_execute0_lowered;
	s3 =	sadd.s32 s3, s5;
	[dreg:$0x0] =	wrdreg $0x0  }
0xae: {  	s5 =	sshll.u32 s28, $0x1;
	[dreg:$0x2] =	wrdreg s3  }
0xaf: {  	[dreg:$0x3] =	wrdreg s5  }
0xb0: {  	[dreg:$0x4] =	wrdreg $0xC0  }
0xb1: {  	_ =	task [dreg:s7], $0x5FFFF  }
0xb2: {  	[dreg:$0x1] =	wrdreg $0xFFFFFFFF  }
0xb3: {  	[dreg:$0x0] =	wrdreg $0x60  }
0xb4: {  	[dreg:$0x2] =	wrdreg s16  }
0xb5: {  	[dreg:$0x3] =	wrdreg s24  }
0xb6: {  	[dreg:$0x4] =	wrdreg $0x9  }
0xb7: {  	_ =	task.clear_ibuf [dreg:s7], $0x5FFFF;
	_ =	strace $0x90000046  }
0xb8: {  	s29 =	simm.s32 $0x9;
	_ =	strace $0x80000048  }
0xb9: {  	_ =	swait.ge [sflag:s29], $0x1  }
0xba: {  	[sflag:s29] =	ssyncadd.s32 $0xFFFFFFFF  }
0xbb: {  	_ =	strace $0x90000048  }
0xbc: {  	_ =	sfence  }
0xbd: {  	s30 =	sld [smem:$0x0];
	_ =	sdelay $0x2  }
0xbe: {  	s31 =	sshll.u32 s1, $0xD;
	s1 =	sshrl.u32 s1, $0x2  }
0xbf: {  	s3 =	sand.u32 $0x4000, s31;
	s1 =	sadd.s32 s1, s30  }
0xc0: {  	s0 =	sor.u32 s3, s0;
	s1 =	sshll.u32 s1, $0x11  }
0xc1: {  	s0 =	sor.u32 s1, s0  }
0xc2: {  	s0 =	sadd.s32 $0x8F2B, s0  }
0xc3: {  	[sflag:s0] =	ssyncadd.remote.s32 $0x1  }
0xc4: {  	_ =	sfence.sel $0xFFFF  }
0xc5: {  	[dreg:$0x0] =	wrdreg $0xFFFFFFFF;
	(pc) =	sbr.abs _section_cstart, $3  }
0xc6: {  	[dreg:$0x1] =	wrdreg $0xFFFFFFFF  }
0xc7: {  	_ =	task.clear_ibuf [dreg:s7], $0x2FFFF;
	_ =	strace $0x9FFFFFFF  }
0xc8: {  	(tm) =	ssettm $0x7FFFFFFF  }
0xc9: {  	_ =	shalt  }
tec
execute0_lowered:
.L_overlay_start_1:
0x0: {  	(tag) =	ssettag $0x1  }
0x1: {  	s3 =	rddreg [dreg:$0x0]  }
0x2: {  	s5 =	rddreg [dreg:$0x1];
	s2 =	srdreg.scid  }
0x3: {  	s0 =	rddreg [dreg:$0x2];
	s1 =	stileid.u32;
	s4 =	sand.u32 $0x1, s2  }
0x4: {  	s2 =	simm.s32 $0x0;
	s6 =	sshll.u32 s1, $0xA;
	s7 =	sshll.u32 s4, $0x9  }
0x5: {  	[smem:$0x7FF] =	sst s2;
	s8 =	ssub.s32 $0x2, s4;
	s6 =	sor.u32 s7, s6  }
0x6: {  	s30 =	sshrl.u32 s8, $0x1;
	s7 =	sshll.u32 s6, $0x4;
	s6 =	sshrl.u32 s6, $0x3  }
0x7: {  	_ =	strace $0x80000047;
	s4 =	sadd.s32 s3, s6;
	s6 =	ssub.s32 s8, s30  }
0x8: {  	[tilespmem:s2], [sflag:$0x1] =	stream.linear.gather [hbm4b:s4+s2], $0x200, $0x38;
	[tilespmem:$0x10200] =	vst v63  }
0x9: {  	s3 =	simm.s32 $0x1;
	s31 =	smax.u32 s6, $0x1  }
0xa: {  	_ =	swait.ge [sflag:s3], $0x200;
	p0 =	sne.s32 s31, $0x1  }
.Ltmp0:
0xb: {  	s5 =	sadd.s32 s7, s5;
	[sflag:s3] =	ssyncset.done $0x0;
	(pc) =	sbr.rel @!p0 .LBB2_2-.Ltmp0, $4  }
0xc: {  	s5 =	sadd.s32 $0x1200, s5;
	s6 =	simm.s32 $0x200;
	[sflag:s3] =	ssyncadd.s32 $0xFFFFFE00  }
0xd: {  	[hbm4b:s5+s2] =	stream.linear.scatter [tilespmem:s6], [sflag:$0x1], $0x10000, $0x38;
	[tilespmem:$0x10200] =	vst v63  }
0xe: {  	_ =	swait.ge [sflag:s3], $0x10000  }
0xf: {  	s7 =	sadd.s32 $0xFFFFFFFF, s31;
	[sflag:s3] =	ssyncset.done $0x0  }
.LBB2_1:
0x10: {  	p0 =	sne.s32 s7, $0x1;
	s7 =	sadd.s32 $0xFFFFFFFF, s7;
	[sflag:s3] =	ssyncadd.s32 $0xFFFF0000  }
0x11: {  	[tilespmem:s2], [sflag:$0x1] =	stream.linear.gather [hbm4b:s4+s2], $0x200, $0x38;
	[tilespmem:$0x10200] =	vst v63  }
0x12: {  	_ =	swait.ge [sflag:s3], $0x200  }
.Ltmp1:
0x13: {  	[sflag:s3] =	ssyncset.done $0x0;
	(pc) =	sbr.rel @p0 .LBB2_1-.Ltmp1, $4  }
0x14: {  	[sflag:s3] =	ssyncadd.s32 $0xFFFFFE00  }
0x15: {  	[hbm4b:s5+s2] =	stream.linear.scatter [tilespmem:s6], [sflag:$0x1], $0x10000, $0x38;
	[tilespmem:$0x10200] =	vst v63  }
0x16: {  	_ =	swait.ge [sflag:s3], $0x10000  }
0x17: {  	[sflag:s3] =	ssyncset.done $0x0  }
.LBB2_2:
0x18: {  	[sflag:s3] =	ssyncadd.s32 $0xFFFF0000  }
0x19: {  	_ =	sfence.sel $0x180000  }
0x1a: {  	[bflag:$0x0] =	sbarrier.arrive $0xFFFF  }
0x1b: {  	p0 =	sne.s32 s1, $0x0;
	_ =	strace $0x90000047  }
0x1c: {  	s0 =	sadd.s32 @!p0 $0x100000, s0;
	[bflag:$0x2] =	sbarrier.arrive $0xFFFF  }
0x1d: {  	[sflag:s0] =	ssyncadd.tile.s32 @!p0 $0x1;
	_ =	shalt  }
.Lfunc_end2:
_tile_overlayer_lowered:
.L_overlay_start_2:
0x1e: {  	(tag) =	ssettag $0x2  }
0x1f: {  	s0 =	rddreg [dreg:$0x0];
	s2 =	stileid.u32  }
0x20: {  	s1 =	rddreg [dreg:$0x1];
	p0 =	sne.s32 s2, $0x0  }
0x21: {  	s3 =	rddreg [dreg:$0x2];
	[bflag:$0x3] =	sbarrier.arrive $0xFFFF;
	s2 =	simm.s32 @!p0 $0x1C01  }
0x22: {  	[timem:s3], [sflag:s2] =	dma.local @!p0 [hbm:s0], s1  }
0x23: {  	s0 =	simm.s32 @!p0 $0x1  }
0x24: {  	_ =	swait.ge @!p0 [sflag:s0], s1  }
0x25: {  	s1 =	ssub.s32 @!p0 $0x0, s1;
	[sflag:s0] =	ssyncset.done @!p0 $0x0  }
0x26: {  	[sflag:s0] =	ssyncadd.s32 @!p0 s1  }
0x27: {  	[bflag:$0x3] =	sbarrier.arrive $0xFFFF  }
0x28: {  	_ =	shalt  }

</sc_bundles>
